<compile_context>
chip_gen: v7x
topology: tpu7x:2x2x1
jax: 0.10.2.dev20260603
libtpu: 0.0.44.dev20260713+nightly
codegen_flags: <defaults>
</compile_context>

<pallas_src>
import functools

import jax
import jax.numpy as jnp
from jax import lax
from jax.experimental import pallas as pl
from jax.experimental.pallas import tpu as pltpu
from jax.experimental.pallas import tpu_sc as plsc

N_FIELDS = 26
VOCAB = 100000
EMB_DIM = 32

NC = 2
NS = 16
NW = NC * NS

BCHUNK = 2048


@functools.lru_cache(maxsize=None)
def _make_lookup(batch: int):
    n_rows = N_FIELDS * EMB_DIM
    units = n_rows // NW
    assert units * NW == n_rows and batch % (2 * BCHUNK) == 0
    n_bchunks = batch // BCHUNK

    mesh = plsc.VectorSubcoreMesh(
        core_axis_name="c", subcore_axis_name="s", num_cores=NC, num_subcores=NS
    )

    def body(tt, catT, out, vec, idxrow, outb0, outb1, vsem, isem, osem):
        wid = lax.axis_index("s") * NC + lax.axis_index("c")
        outbs = (outb0, outb1)

        def start_out(u, c, b):
            pltpu.async_copy(
                outbs[b], out.at[u, pl.ds(c * BCHUNK, BCHUNK)], osem.at[b]
            )

        def wait_out(b):
            pltpu.make_async_copy(
                outbs[b], out.at[0, pl.ds(0, BCHUNK)], osem.at[b]
            ).wait()

        def gather_chunk(c, b):
            ob = outbs[b]
            base = c * BCHUNK

            @plsc.parallel_loop(0, BCHUNK // 16, unroll=8)
            def _(k):
                iv = idxrow[pl.ds(base + k * 16, 16)]
                ob[pl.ds(k * 16, 16)] = plsc.load_gather(vec, [iv])

        @pl.loop(0, units)
        def _(t):
            u = wid * units + t
            f = u // EMB_DIM
            e = lax.rem(u, EMB_DIM)
            pltpu.async_copy(tt.at[f, e], vec, vsem)

            @pl.when((t == 0) | (e == 0))
            def _():
                pltpu.async_copy(catT.at[f], idxrow, isem)
                pltpu.make_async_copy(catT.at[0], idxrow, isem).wait()

            pltpu.make_async_copy(tt.at[0, 0], vec, vsem).wait()

            @pl.loop(0, n_bchunks, step=2)
            def _(c0):
                for b in range(2):
                    c = c0 + b

                    @pl.when(t * n_bchunks + c > 1)
                    def _():
                        wait_out(b)

                    gather_chunk(c, b)
                    start_out(u, c, b)

        for b in range(2):
            wait_out(b)

    return pl.kernel(
        body,
        out_type=jax.ShapeDtypeStruct((n_rows, batch), jnp.float32),
        mesh=mesh,
        compiler_params=pltpu.CompilerParams(
            use_tc_tiling_on_sc=True, needs_layout_passes=False
        ),
        scratch_types=[
            pltpu.VMEM((VOCAB,), jnp.float32),
            pltpu.VMEM((batch,), jnp.int32),
            pltpu.VMEM((BCHUNK,), jnp.float32),
            pltpu.VMEM((BCHUNK,), jnp.float32),
            pltpu.SemaphoreType.DMA,
            pltpu.SemaphoreType.DMA,
            pltpu.SemaphoreType.DMA((2,)),
        ],
    )


def kernel(cat_features, tables):
    batch = cat_features.shape[0]
    cat = cat_features.astype(jnp.int32)
    tt = jnp.transpose(tables, (0, 2, 1))
    catT = jnp.transpose(cat, (1, 0))
    out = _make_lookup(batch)(tt, catT)
    return jnp.transpose(out, (1, 0))

# --- scband reference (transcript-rebuilt; emitter-appended) ---
"""Pipeline reference for scband-embedding-90022514524342 (READ-ONLY COPY).

The authoritative reference and input builder live on the scoring server;
editing this copy changes nothing except your own understanding.
"""

import jax, jax.numpy as jnp
import numpy as np

N_FIELDS = 26
VOCAB = 100000  # vocab_range (0, 99998) -> 99998 - 0 + 2 = 100000 rows
EMB_DIM = 32
BATCH = 16384

def setup_inputs(seed: int = 0) -> dict:
    key = jax.random.key(seed)
    k1, k2 = jax.random.split(key)
    cat_features = jax.random.randint(k1, (BATCH, N_FIELDS), 0, VOCAB, dtype=jnp.int32).astype(jnp.int64)
    # All 26 tables have identical shape (100000, 32); stack into one [26, 100000, 32] param.
    tables = jax.random.normal(k2, (N_FIELDS, VOCAB, EMB_DIM), dtype=jnp.float32) * 0.02
    return {"cat_features": cat_features, "tables": tables}

def reference(cat_features, tables):
    # Faithful translation: per-field embedding lookup on each column, then concat on dim 1.
    res = []
    for i in range(N_FIELDS):
        res.append(jnp.take(tables[i], cat_features[:, i], axis=0))
    return jnp.concatenate(res, axis=1)

if __name__ == "__main__":
    import jax
    _d = setup_inputs()
    print(jax.jit(kernel)(*tuple(_d.values())))

</pallas_src>

<mosaic_0001>
#map = affine_map<(d0, d1) -> (0, 0, 0)>
#map1 = affine_map<(d0, d1) -> (0, 0)>
module attributes {stable_mosaic.version = 14 : i64} {
  func.func @body(%arg0: i32, %arg1: i32, %arg2: memref<26x32x100000xf32, #tpu.memory_space<hbm>>, %arg3: memref<26x16384xi32, #tpu.memory_space<hbm>>, %arg4: memref<832x16384xf32, #tpu.memory_space<hbm>>, %arg5: memref<100000xf32, #tpu.memory_space<vmem>>, %arg6: memref<16384xi32, #tpu.memory_space<vmem>>, %arg7: memref<2048xf32, #tpu.memory_space<vmem>>, %arg8: memref<2048xf32, #tpu.memory_space<vmem>>, %arg9: memref<!tpu.dma_semaphore, #tpu.memory_space<semaphore_mem>>, %arg10: memref<!tpu.dma_semaphore, #tpu.memory_space<semaphore_mem>>, %arg11: memref<2x!tpu.dma_semaphore, #tpu.memory_space<semaphore_mem>>) attributes {dimension_semantics = [#tpu.dimension_semantics<core_parallel>, #tpu.dimension_semantics<subcore_parallel>], iteration_bounds = array<i64: 2, 16>, scalar_prefetch = 0 : i64, scratch_operands = 7 : i64, tpu.core_type = #tpu.core_type<sc_vector_subcore>, window_params = [{transform_indices = #map}, {transform_indices = #map1}, {transform_indices = #map1}]} {
    %mul3A = arith.constant 2 : i32
    %mul3A_0 = arith.muli %arg1, %mul3A : i32
    %add3A = arith.addi %mul3A_0, %arg0 : i32
    %scan3A = arith.constant 0 : i32
    %scan3A_1 = arith.constant 26 : i32
    %scan3A_2 = arith.addi %scan3A, %scan3A_1 : i32
    %scan3A_3 = arith.constant 1 : i32
    scf.for %scan3A_24 = %scan3A to %scan3A_2 step %scan3A_3  : i32 {
      %mul3A_25 = arith.constant 1 : i32
      %mul3A_26 = arith.muli %scan3A_24, %mul3A_25 : i32
      %add3A_27 = arith.constant 0 : i32
      %add3A_28 = arith.addi %add3A_27, %mul3A_26 : i32
      %mul3A_29 = arith.constant 26 : i32
      %mul3A_30 = arith.muli %add3A, %mul3A_29 : i32
      %add3A_31 = arith.addi %mul3A_30, %add3A_28 : i32
      %jit3A = arith.constant 32 : i32
      %div3A = arith.divsi %add3A_31, %jit3A : i32
      %sign3A = arith.constant 0 : i32
      %sign3A_32 = arith.cmpi sgt, %add3A_31, %sign3A : i32
      %sign3A_33 = arith.extui %sign3A_32 : i1 to i32
      %sign3A_34 = arith.constant 0 : i32
      %sign3A_35 = arith.cmpi slt, %add3A_31, %sign3A_34 : i32
      %sign3A_36 = arith.extui %sign3A_35 : i1 to i32
      %sign3A_37 = arith.subi %sign3A_33, %sign3A_36 : i32
      %sign3A_38 = arith.constant 0 : i32
      %sign3A_39 = arith.cmpi sgt, %jit3A, %sign3A_38 : i32
      %sign3A_40 = arith.extui %sign3A_39 : i1 to i32
      %sign3A_41 = arith.constant 0 : i32
      %sign3A_42 = arith.cmpi slt, %jit3A, %sign3A_41 : i32
      %sign3A_43 = arith.extui %sign3A_42 : i1 to i32
      %sign3A_44 = arith.subi %sign3A_40, %sign3A_43 : i32
      %ne3A = arith.cmpi ne, %sign3A_37, %sign3A_44 : i32
      %rem3A = arith.remsi %add3A_31, %jit3A : i32
      %ne3A_45 = arith.constant 0 : i32
      %ne3A_46 = arith.cmpi ne, %rem3A, %ne3A_45 : i32
      %and3A = arith.andi %ne3A, %ne3A_46 : i1
      %sub3A = arith.constant 1 : i32
      %sub3A_47 = arith.subi %div3A, %sub3A : i32
      %select_n3A = arith.select %and3A, %sub3A_47, %div3A : i32
      %rem3A_48 = arith.constant 32 : i32
      %rem3A_49 = arith.remsi %add3A_31, %rem3A_48 : i32
      %dma_start3A = arith.constant 0 : i32
      %dma_start3A_50 = tpu.memref_slice %arg2[%select_n3A, %rem3A_49, %dma_start3A] : memref<26x32x100000xf32, #tpu.memory_space<hbm>> -> memref<1x1x100000xf32, #tpu.memory_space<hbm>>
      %dma_start3A_51 = tpu.memref_squeeze %dma_start3A_50 : memref<1x1x100000xf32, #tpu.memory_space<hbm>> -> memref<100000xf32, #tpu.memory_space<hbm>>
      %dma_start3A_52 = arith.constant 0 : i32
      %dma_start3A_53 = tpu.memref_slice %arg2[%select_n3A, %rem3A_49, %dma_start3A_52] : memref<26x32x100000xf32, #tpu.memory_space<hbm>> -> memref<1x1x100000xf32, #tpu.memory_space<hbm>>
      %dma_start3A_54 = tpu.memref_squeeze %dma_start3A_53 : memref<1x1x100000xf32, #tpu.memory_space<hbm>> -> memref<100000xf32, #tpu.memory_space<hbm>>
      tpu.enqueue_dma source(%dma_start3A_54 : memref<100000xf32, #tpu.memory_space<hbm>>) target(%arg5 : memref<100000xf32, #tpu.memory_space<vmem>>) target_semaphore(%arg9 : memref<!tpu.dma_semaphore, #tpu.memory_space<semaphore_mem>>)
      %eq3A = arith.constant 0 : i32
      %eq3A_55 = arith.cmpi eq, %add3A_28, %eq3A : i32
      %eq3A_56 = arith.constant 0 : i32
      %eq3A_57 = arith.cmpi eq, %rem3A_49, %eq3A_56 : i32
      %or3A = arith.ori %eq3A_55, %eq3A_57 : i1
      %convert_element_type3A = arith.extui %or3A : i1 to i32
      %cond3A = arith.constant 0 : i32
      %cond3A_58 = arith.cmpi ne, %convert_element_type3A, %cond3A : i32
      scf.if %cond3A_58 {
        %dma_start3A_72 = arith.constant 0 : i32
        %dma_start3A_73 = tpu.memref_slice %arg3[%select_n3A, %dma_start3A_72] : memref<26x16384xi32, #tpu.memory_space<hbm>> -> memref<1x16384xi32, #tpu.memory_space<hbm>>
        %dma_start3A_74 = tpu.memref_squeeze %dma_start3A_73 : memref<1x16384xi32, #tpu.memory_space<hbm>> -> memref<16384xi32, #tpu.memory_space<hbm>>
        %dma_start3A_75 = arith.constant 0 : i32
        %dma_start3A_76 = tpu.memref_slice %arg3[%select_n3A, %dma_start3A_75] : memref<26x16384xi32, #tpu.memory_space<hbm>> -> memref<1x16384xi32, #tpu.memory_space<hbm>>
        %dma_start3A_77 = tpu.memref_squeeze %dma_start3A_76 : memref<1x16384xi32, #tpu.memory_space<hbm>> -> memref<16384xi32, #tpu.memory_space<hbm>>
        tpu.enqueue_dma source(%dma_start3A_77 : memref<16384xi32, #tpu.memory_space<hbm>>) target(%arg6 : memref<16384xi32, #tpu.memory_space<vmem>>) target_semaphore(%arg10 : memref<!tpu.dma_semaphore, #tpu.memory_space<semaphore_mem>>)
        %dma_wait3A_78 = arith.constant 0 : i32
        %dma_wait3A_79 = arith.constant 0 : i32
        %dma_wait3A_80 = tpu.memref_slice %arg3[%dma_wait3A_78, %dma_wait3A_79] : memref<26x16384xi32, #tpu.memory_space<hbm>> -> memref<1x16384xi32, #tpu.memory_space<hbm>>
        %dma_wait3A_81 = tpu.memref_squeeze %dma_wait3A_80 : memref<1x16384xi32, #tpu.memory_space<hbm>> -> memref<16384xi32, #tpu.memory_space<hbm>>
        %dma_wait3A_82 = arith.constant 0 : i32
        %dma_wait3A_83 = tpu.memref_slice %arg3[%dma_wait3A_78, %dma_wait3A_82] : memref<26x16384xi32, #tpu.memory_space<hbm>> -> memref<1x16384xi32, #tpu.memory_space<hbm>>
        %dma_wait3A_84 = tpu.memref_squeeze %dma_wait3A_83 : memref<1x16384xi32, #tpu.memory_space<hbm>> -> memref<16384xi32, #tpu.memory_space<hbm>>
        tpu.wait_dma2 semaphore(%arg10 : memref<!tpu.dma_semaphore, #tpu.memory_space<semaphore_mem>>) src(%dma_wait3A_84 : memref<16384xi32, #tpu.memory_space<hbm>>) dst(%arg6 : memref<16384xi32, #tpu.memory_space<vmem>>)
      } else {
      }
      %dma_wait3A_59 = arith.constant 0 : i32
      %dma_wait3A_60 = arith.constant 0 : i32
      %dma_wait3A_61 = arith.constant 0 : i32
      %dma_wait3A_62 = tpu.memref_slice %arg2[%dma_wait3A_59, %dma_wait3A_60, %dma_wait3A_61] : memref<26x32x100000xf32, #tpu.memory_space<hbm>> -> memref<1x1x100000xf32, #tpu.memory_space<hbm>>
      %dma_wait3A_63 = tpu.memref_squeeze %dma_wait3A_62 : memref<1x1x100000xf32, #tpu.memory_space<hbm>> -> memref<100000xf32, #tpu.memory_space<hbm>>
      %dma_wait3A_64 = arith.constant 0 : i32
      %dma_wait3A_65 = tpu.memref_slice %arg2[%dma_wait3A_59, %dma_wait3A_60, %dma_wait3A_64] : memref<26x32x100000xf32, #tpu.memory_space<hbm>> -> memref<1x1x100000xf32, #tpu.memory_space<hbm>>
      %dma_wait3A_66 = tpu.memref_squeeze %dma_wait3A_65 : memref<1x1x100000xf32, #tpu.memory_space<hbm>> -> memref<100000xf32, #tpu.memory_space<hbm>>
      tpu.wait_dma2 semaphore(%arg9 : memref<!tpu.dma_semaphore, #tpu.memory_space<semaphore_mem>>) src(%dma_wait3A_66 : memref<100000xf32, #tpu.memory_space<hbm>>) dst(%arg5 : memref<100000xf32, #tpu.memory_space<vmem>>)
      %scan3A_67 = arith.constant 0 : i32
      %scan3A_68 = arith.constant 4 : i32
      %scan3A_69 = arith.addi %scan3A_67, %scan3A_68 : i32
      %scan3A_70 = arith.constant 1 : i32
      scf.for %scan3A_72 = %scan3A_67 to %scan3A_69 step %scan3A_70  : i32 {
        %mul3A_73 = arith.constant 2 : i32
        %mul3A_74 = arith.muli %scan3A_72, %mul3A_73 : i32
        %add3A_75 = arith.constant 0 : i32
        %add3A_76 = arith.addi %add3A_75, %mul3A_74 : i32
        %add3A_77 = arith.constant 0 : i32
        %add3A_78 = arith.addi %add3A_76, %add3A_77 : i32
        %mul3A_79 = arith.constant 8 : i32
        %mul3A_80 = arith.muli %add3A_28, %mul3A_79 : i32
        %add3A_81 = arith.addi %mul3A_80, %add3A_78 : i32
        %gt3A = arith.constant 1 : i32
        %gt3A_82 = arith.cmpi sgt, %add3A_81, %gt3A : i32
        %convert_element_type3A_83 = arith.extui %gt3A_82 : i1 to i32
        %cond3A_84 = arith.constant 0 : i32
        %cond3A_85 = arith.cmpi ne, %convert_element_type3A_83, %cond3A_84 : i32
        scf.if %cond3A_85 {
          %dma_wait3A_123 = arith.constant 0 : i32
          %dma_wait3A_124 = arith.constant 0 : i32
          %dma_wait3A_125 = arith.constant 0 : i32
          %dma_wait3A_126 = tpu.memref_slice %arg4[%dma_wait3A_123, %dma_wait3A_125] : memref<832x16384xf32, #tpu.memory_space<hbm>> -> memref<1x2048xf32, #tpu.memory_space<hbm>>
          %dma_wait3A_127 = tpu.memref_squeeze %dma_wait3A_126 : memref<1x2048xf32, #tpu.memory_space<hbm>> -> memref<2048xf32, #tpu.memory_space<hbm>>
          %dma_wait3A_128 = tpu.memref_slice %arg11[%dma_wait3A_124] : memref<2x!tpu.dma_semaphore, #tpu.memory_space<semaphore_mem>> -> memref<1x!tpu.dma_semaphore, #tpu.memory_space<semaphore_mem>>
          %dma_wait3A_129 = tpu.memref_squeeze %dma_wait3A_128 : memref<1x!tpu.dma_semaphore, #tpu.memory_space<semaphore_mem>> -> memref<!tpu.dma_semaphore, #tpu.memory_space<semaphore_mem>>
          %dma_wait3A_130 = arith.constant 0 : i32
          %dma_wait3A_131 = tpu.memref_slice %arg4[%dma_wait3A_123, %dma_wait3A_130] : memref<832x16384xf32, #tpu.memory_space<hbm>> -> memref<1x2048xf32, #tpu.memory_space<hbm>>
          %dma_wait3A_132 = tpu.memref_squeeze %dma_wait3A_131 : memref<1x2048xf32, #tpu.memory_space<hbm>> -> memref<2048xf32, #tpu.memory_space<hbm>>
          tpu.wait_dma2 semaphore(%dma_wait3A_129 : memref<!tpu.dma_semaphore, #tpu.memory_space<semaphore_mem>>) src(%arg7 : memref<2048xf32, #tpu.memory_space<vmem>>) dst(%dma_wait3A_132 : memref<2048xf32, #tpu.memory_space<hbm>>)
        } else {
        }
        %mul3A_86 = arith.constant 2048 : i32
        %mul3A_87 = arith.muli %add3A_78, %mul3A_86 : i32
        %parallel_loop3A = arith.constant 0 : i32
        %parallel_loop3A_88 = arith.constant 128 : i32
        %parallel_loop3A_89 = arith.constant 1 : i32
        scf.for %parallel_loop3A_123 = %parallel_loop3A to %parallel_loop3A_88 step %parallel_loop3A_89  : i32 {
          %parallel_loop3A_124 = arith.constant 16 : i32
          %parallel_loop3A_125 = arith.muli %parallel_loop3A_123, %parallel_loop3A_124 : i32
          %parallel_loop3A_126 = arith.addi %mul3A_87, %parallel_loop3A_125 : i32
          %parallel_loop3A_127 = arith.index_cast %parallel_loop3A_126 : i32 to index
          %parallel_loop3A_128 = tpu.vector_load %arg6[%parallel_loop3A_127] {strides = array<i32>} : memref<16384xi32, #tpu.memory_space<vmem>>, vector<16xi32>,
          %parallel_loop3A_129 = tpu.vector_load_idx %arg5[%parallel_loop3A_128] : memref<100000xf32, #tpu.memory_space<vmem>>[vector<16xi32>], vector<16xf32>,
          %parallel_loop3A_130 = arith.constant 16 : i32
          %parallel_loop3A_131 = arith.muli %parallel_loop3A_123, %parallel_loop3A_130 : i32
          %parallel_loop3A_132 = arith.index_cast %parallel_loop3A_131 : i32 to index
          %parallel_loop3A_133 = tpu.vector_load %arg7[%parallel_loop3A_132] {strides = array<i32>} : memref<2048xf32, #tpu.memory_space<vmem>>, vector<16xf32>,
          tpu.vector_store %arg7[%parallel_loop3A_132], %parallel_loop3A_129 {strides = array<i32>} : memref<2048xf32, #tpu.memory_space<vmem>>, vector<16xf32>,
        } {sc.loop_unroll_factor = 8 : i64, sc.parallel_access}
        %mul3A_90 = arith.constant 2048 : i32
        %mul3A_91 = arith.muli %add3A_78, %mul3A_90 : i32
        %dma_start3A_92 = arith.constant 0 : i32
        %dma_start3A_93 = tpu.memref_slice %arg4[%add3A_31, %mul3A_91] : memref<832x16384xf32, #tpu.memory_space<hbm>> -> memref<1x2048xf32, #tpu.memory_space<hbm>>
        %dma_start3A_94 = tpu.memref_squeeze %dma_start3A_93 : memref<1x2048xf32, #tpu.memory_space<hbm>> -> memref<2048xf32, #tpu.memory_space<hbm>>
        %dma_start3A_95 = tpu.memref_slice %arg11[%dma_start3A_92] : memref<2x!tpu.dma_semaphore, #tpu.memory_space<semaphore_mem>> -> memref<1x!tpu.dma_semaphore, #tpu.memory_space<semaphore_mem>>
        %dma_start3A_96 = tpu.memref_squeeze %dma_start3A_95 : memref<1x!tpu.dma_semaphore, #tpu.memory_space<semaphore_mem>> -> memref<!tpu.dma_semaphore, #tpu.memory_space<semaphore_mem>>
        %dma_start3A_97 = tpu.memref_slice %arg4[%add3A_31, %mul3A_91] : memref<832x16384xf32, #tpu.memory_space<hbm>> -> memref<1x2048xf32, #tpu.memory_space<hbm>>
        %dma_start3A_98 = tpu.memref_squeeze %dma_start3A_97 : memref<1x2048xf32, #tpu.memory_space<hbm>> -> memref<2048xf32, #tpu.memory_space<hbm>>
        tpu.enqueue_dma source(%arg7 : memref<2048xf32, #tpu.memory_space<vmem>>) target(%dma_start3A_98 : memref<2048xf32, #tpu.memory_space<hbm>>) target_semaphore(%dma_start3A_96 : memref<!tpu.dma_semaphore, #tpu.memory_space<semaphore_mem>>)
        %add3A_99 = arith.constant 1 : i32
        %add3A_100 = arith.addi %add3A_76, %add3A_99 : i32
        %mul3A_101 = arith.constant 8 : i32
        %mul3A_102 = arith.muli %add3A_28, %mul3A_101 : i32
        %add3A_103 = arith.addi %mul3A_102, %add3A_100 : i32
        %gt3A_104 = arith.constant 1 : i32
        %gt3A_105 = arith.cmpi sgt, %add3A_103, %gt3A_104 : i32
        %convert_element_type3A_106 = arith.extui %gt3A_105 : i1 to i32
        %cond3A_107 = arith.constant 0 : i32
        %cond3A_108 = arith.cmpi ne, %convert_element_type3A_106, %cond3A_107 : i32
        scf.if %cond3A_108 {
          %dma_wait3A_123 = arith.constant 0 : i32
          %dma_wait3A_124 = arith.constant 1 : i32
          %dma_wait3A_125 = arith.constant 0 : i32
          %dma_wait3A_126 = tpu.memref_slice %arg4[%dma_wait3A_123, %dma_wait3A_125] : memref<832x16384xf32, #tpu.memory_space<hbm>> -> memref<1x2048xf32, #tpu.memory_space<hbm>>
          %dma_wait3A_127 = tpu.memref_squeeze %dma_wait3A_126 : memref<1x2048xf32, #tpu.memory_space<hbm>> -> memref<2048xf32, #tpu.memory_space<hbm>>
          %dma_wait3A_128 = tpu.memref_slice %arg11[%dma_wait3A_124] : memref<2x!tpu.dma_semaphore, #tpu.memory_space<semaphore_mem>> -> memref<1x!tpu.dma_semaphore, #tpu.memory_space<semaphore_mem>>
          %dma_wait3A_129 = tpu.memref_squeeze %dma_wait3A_128 : memref<1x!tpu.dma_semaphore, #tpu.memory_space<semaphore_mem>> -> memref<!tpu.dma_semaphore, #tpu.memory_space<semaphore_mem>>
          %dma_wait3A_130 = arith.constant 0 : i32
          %dma_wait3A_131 = tpu.memref_slice %arg4[%dma_wait3A_123, %dma_wait3A_130] : memref<832x16384xf32, #tpu.memory_space<hbm>> -> memref<1x2048xf32, #tpu.memory_space<hbm>>
          %dma_wait3A_132 = tpu.memref_squeeze %dma_wait3A_131 : memref<1x2048xf32, #tpu.memory_space<hbm>> -> memref<2048xf32, #tpu.memory_space<hbm>>
          tpu.wait_dma2 semaphore(%dma_wait3A_129 : memref<!tpu.dma_semaphore, #tpu.memory_space<semaphore_mem>>) src(%arg8 : memref<2048xf32, #tpu.memory_space<vmem>>) dst(%dma_wait3A_132 : memref<2048xf32, #tpu.memory_space<hbm>>)
        } else {
        }
        %mul3A_109 = arith.constant 2048 : i32
        %mul3A_110 = arith.muli %add3A_100, %mul3A_109 : i32
        %parallel_loop3A_111 = arith.constant 0 : i32
        %parallel_loop3A_112 = arith.constant 128 : i32
        %parallel_loop3A_113 = arith.constant 1 : i32
        scf.for %parallel_loop3A_123 = %parallel_loop3A_111 to %parallel_loop3A_112 step %parallel_loop3A_113  : i32 {
          %parallel_loop3A_124 = arith.constant 16 : i32
          %parallel_loop3A_125 = arith.muli %parallel_loop3A_123, %parallel_loop3A_124 : i32
          %parallel_loop3A_126 = arith.addi %mul3A_110, %parallel_loop3A_125 : i32
          %parallel_loop3A_127 = arith.index_cast %parallel_loop3A_126 : i32 to index
          %parallel_loop3A_128 = tpu.vector_load %arg6[%parallel_loop3A_127] {strides = array<i32>} : memref<16384xi32, #tpu.memory_space<vmem>>, vector<16xi32>,
          %parallel_loop3A_129 = tpu.vector_load_idx %arg5[%parallel_loop3A_128] : memref<100000xf32, #tpu.memory_space<vmem>>[vector<16xi32>], vector<16xf32>,
          %parallel_loop3A_130 = arith.constant 16 : i32
          %parallel_loop3A_131 = arith.muli %parallel_loop3A_123, %parallel_loop3A_130 : i32
          %parallel_loop3A_132 = arith.index_cast %parallel_loop3A_131 : i32 to index
          %parallel_loop3A_133 = tpu.vector_load %arg8[%parallel_loop3A_132] {strides = array<i32>} : memref<2048xf32, #tpu.memory_space<vmem>>, vector<16xf32>,
          tpu.vector_store %arg8[%parallel_loop3A_132], %parallel_loop3A_129 {strides = array<i32>} : memref<2048xf32, #tpu.memory_space<vmem>>, vector<16xf32>,
        } {sc.loop_unroll_factor = 8 : i64, sc.parallel_access}
        %mul3A_114 = arith.constant 2048 : i32
        %mul3A_115 = arith.muli %add3A_100, %mul3A_114 : i32
        %dma_start3A_116 = arith.constant 1 : i32
        %dma_start3A_117 = tpu.memref_slice %arg4[%add3A_31, %mul3A_115] : memref<832x16384xf32, #tpu.memory_space<hbm>> -> memref<1x2048xf32, #tpu.memory_space<hbm>>
        %dma_start3A_118 = tpu.memref_squeeze %dma_start3A_117 : memref<1x2048xf32, #tpu.memory_space<hbm>> -> memref<2048xf32, #tpu.memory_space<hbm>>
        %dma_start3A_119 = tpu.memref_slice %arg11[%dma_start3A_116] : memref<2x!tpu.dma_semaphore, #tpu.memory_space<semaphore_mem>> -> memref<1x!tpu.dma_semaphore, #tpu.memory_space<semaphore_mem>>
        %dma_start3A_120 = tpu.memref_squeeze %dma_start3A_119 : memref<1x!tpu.dma_semaphore, #tpu.memory_space<semaphore_mem>> -> memref<!tpu.dma_semaphore, #tpu.memory_space<semaphore_mem>>
        %dma_start3A_121 = tpu.memref_slice %arg4[%add3A_31, %mul3A_115] : memref<832x16384xf32, #tpu.memory_space<hbm>> -> memref<1x2048xf32, #tpu.memory_space<hbm>>
        %dma_start3A_122 = tpu.memref_squeeze %dma_start3A_121 : memref<1x2048xf32, #tpu.memory_space<hbm>> -> memref<2048xf32, #tpu.memory_space<hbm>>
        tpu.enqueue_dma source(%arg8 : memref<2048xf32, #tpu.memory_space<vmem>>) target(%dma_start3A_122 : memref<2048xf32, #tpu.memory_space<hbm>>) target_semaphore(%dma_start3A_120 : memref<!tpu.dma_semaphore, #tpu.memory_space<semaphore_mem>>)
      }
      %scan3A_71 = arith.constant 4 : i32
    }
    %scan3A_4 = arith.constant 26 : i32
    %dma_wait3A = arith.constant 0 : i32
    %dma_wait3A_5 = arith.constant 0 : i32
    %dma_wait3A_6 = arith.constant 0 : i32
    %dma_wait3A_7 = tpu.memref_slice %arg4[%dma_wait3A, %dma_wait3A_6] : memref<832x16384xf32, #tpu.memory_space<hbm>> -> memref<1x2048xf32, #tpu.memory_space<hbm>>
    %dma_wait3A_8 = tpu.memref_squeeze %dma_wait3A_7 : memref<1x2048xf32, #tpu.memory_space<hbm>> -> memref<2048xf32, #tpu.memory_space<hbm>>
    %dma_wait3A_9 = tpu.memref_slice %arg11[%dma_wait3A_5] : memref<2x!tpu.dma_semaphore, #tpu.memory_space<semaphore_mem>> -> memref<1x!tpu.dma_semaphore, #tpu.memory_space<semaphore_mem>>
    %dma_wait3A_10 = tpu.memref_squeeze %dma_wait3A_9 : memref<1x!tpu.dma_semaphore, #tpu.memory_space<semaphore_mem>> -> memref<!tpu.dma_semaphore, #tpu.memory_space<semaphore_mem>>
    %dma_wait3A_11 = arith.constant 0 : i32
    %dma_wait3A_12 = tpu.memref_slice %arg4[%dma_wait3A, %dma_wait3A_11] : memref<832x16384xf32, #tpu.memory_space<hbm>> -> memref<1x2048xf32, #tpu.memory_space<hbm>>
    %dma_wait3A_13 = tpu.memref_squeeze %dma_wait3A_12 : memref<1x2048xf32, #tpu.memory_space<hbm>> -> memref<2048xf32, #tpu.memory_space<hbm>>
    tpu.wait_dma2 semaphore(%dma_wait3A_10 : memref<!tpu.dma_semaphore, #tpu.memory_space<semaphore_mem>>) src(%arg7 : memref<2048xf32, #tpu.memory_space<vmem>>) dst(%dma_wait3A_13 : memref<2048xf32, #tpu.memory_space<hbm>>)
    %dma_wait3A_14 = arith.constant 0 : i32
    %dma_wait3A_15 = arith.constant 1 : i32
    %dma_wait3A_16 = arith.constant 0 : i32
    %dma_wait3A_17 = tpu.memref_slice %arg4[%dma_wait3A_14, %dma_wait3A_16] : memref<832x16384xf32, #tpu.memory_space<hbm>> -> memref<1x2048xf32, #tpu.memory_space<hbm>>
    %dma_wait3A_18 = tpu.memref_squeeze %dma_wait3A_17 : memref<1x2048xf32, #tpu.memory_space<hbm>> -> memref<2048xf32, #tpu.memory_space<hbm>>
    %dma_wait3A_19 = tpu.memref_slice %arg11[%dma_wait3A_15] : memref<2x!tpu.dma_semaphore, #tpu.memory_space<semaphore_mem>> -> memref<1x!tpu.dma_semaphore, #tpu.memory_space<semaphore_mem>>
    %dma_wait3A_20 = tpu.memref_squeeze %dma_wait3A_19 : memref<1x!tpu.dma_semaphore, #tpu.memory_space<semaphore_mem>> -> memref<!tpu.dma_semaphore, #tpu.memory_space<semaphore_mem>>
    %dma_wait3A_21 = arith.constant 0 : i32
    %dma_wait3A_22 = tpu.memref_slice %arg4[%dma_wait3A_14, %dma_wait3A_21] : memref<832x16384xf32, #tpu.memory_space<hbm>> -> memref<1x2048xf32, #tpu.memory_space<hbm>>
    %dma_wait3A_23 = tpu.memref_squeeze %dma_wait3A_22 : memref<1x2048xf32, #tpu.memory_space<hbm>> -> memref<2048xf32, #tpu.memory_space<hbm>>
    tpu.wait_dma2 semaphore(%dma_wait3A_20 : memref<!tpu.dma_semaphore, #tpu.memory_space<semaphore_mem>>) src(%arg8 : memref<2048xf32, #tpu.memory_space<vmem>>) dst(%dma_wait3A_23 : memref<2048xf32, #tpu.memory_space<hbm>>)
    return
  }
}

</mosaic_0001>

<sc_bundles>
// kernel: kernel.3.cloned.1.call-start
scs
__scs_entry_jumppad:
0x0: {  	(pc) =	sbr.rel $0x88, $3  }
0x1: {  	(tag) =	ssettag $0x0;
	lr =	simm.s32 $0x1  }
0x2: {  	[smem:$0x3F9F] =	sst lr;
	_ =	strace $0xD0000000  }
0x3: {  	_ = 	snop  }
0x4: {  	_ = 	snop  }
0x5: {  	_ = 	snop  }
0x6: {  	_ = 	snop  }
0x7: {  	_ = 	snop  }
__scs_overlays_trampoline_lowered:
0x8: {  	[smem:$0x3FAE] =	sst s0  }
0x9: {  	[smem:$0x3FAF] =	sst s1  }
0xa: {  	[smem:$0x3FB0] =	sst s2  }
0xb: {  	[smem:$0x3FB1] =	sst s3  }
0xc: {  	[smem:$0x3FB2] =	sst s4  }
0xd: {  	[smem:$0x3FB3] =	sst s5  }
0xe: {  	[smem:$0x3FB4] =	sst s6  }
0xf: {  	[smem:$0x3FB5] =	sst s7  }
0x10: {  	[smem:$0x3FB6] =	sst s8  }
0x11: {  	[smem:$0x3FB7] =	sst s9;
	s0 =	simm.s32 @!p0 $0x0  }
0x12: {  	s1 =	sld [smem:$0x3F9D];
	s0 =	simm.s32 @p0 $0x1  }
0x13: {  	[smem:$0x3FB8] =	sst s0;
	s0 =	simm.s32 @!p1 $0x0  }
0x14: {  	s2 =	sld [smem:$0x3F9C];
	s0 =	simm.s32 @p1 $0x1  }
0x15: {  	[smem:$0x3FB9] =	sst s0;
	s0 =	simm.s32 @!p2 $0x0  }
0x16: {  	s3 =	sld [smem:$0x3FDB];
	s0 =	simm.s32 @p2 $0x1  }
0x17: {  	s4 =	simm.s32 $0x1BF5;
	[smem:$0x3FBB] =	sst s0  }
0x18: {  	s0 =	sld [smem:$0x3F9E];
	_ =	swait.ge [sflag:s4], $0x0  }
0x19: {  	s7 =	sld [smem:$0x3F9F]  }
0x1a: {  	s8 =	sadd.s32 $0xFFFFE003, lr  }
0x1b: {  	s9 =	sadd.s32 $0xFFFFFEF7, lr;
	s5 =	simm.s32 $0xFFFFFFFF;
	p2 =	slt.u32 s8, $0xFFFFF086  }
0x1c: {  	p1 =	slt.u32 s9, $0xF7A;
	s5 =	simm.s32 @!p2 $0x0  }
0x1d: {  	s5 =	simm.s32 @p1 $0x1;
	p0 =	seq.s32 s7, s2  }
0x1e: {  	s7 =	smul.u32 @!p0 $0xF7A, s2;
	p2 =	seq.s32 @!p0 s5, $0x0  }
0x1f: {  	s9 =	smul.u32 $0xF7A, s1;
	s8 =	simm.s32 @!p0 $0x1BF5;
	p2 =	por !p2, p0  }
0x20: {  	[sflag:s8] =	ssyncset.s32 @!p0 $0xFFFFF086;
	s6 =	sadd.s32 @!p0 s3, s7;
	s7 =	simm.s32 @!p0 $0x108  }
0x21: {  	s3 =	sadd.s32 s3, s9;
	s6 =	sadd.s32 @!p0 $0x88, s6;
	s7 =	simm.s32 @p2 $0x1082  }
0x22: {  	[simem:s7], [sflag:s8] =	dma.local @!p0 [hbm:s6], $0xF7A  }
0x23: {  	s9 =	sor.u32 $0xD0000000, s2;
	s6 =	simm.s32 $0x108;
	_ =	swait.ge @!p0 [sflag:s8], $0x0  }
0x24: {  	s3 =	sadd.s32 $0x88, s3;
	s6 =	simm.s32 @!p1 $0x1082;
	[sflag:s4] =	ssyncset.s32 $0xFFFFF086  }
0x25: {  	[simem:s6], [sflag:s4] =	dma.local [hbm:s3], $0xF7A  }
0x26: {  	[smem:$0x3F9F] =	sst s1;
	(tag) =	ssettag s2;
	_ =	strace s9  }
0x27: {  	s1 =	sld [smem:$0x3FAF]  }
0x28: {  	s2 =	sld [smem:$0x3FB0]  }
0x29: {  	s4 =	sld [smem:$0x3FB2]  }
0x2a: {  	p0 =	seq.s32 s5, $0x0;
	s5 =	sld [smem:$0x3FB3]  }
0x2b: {  	s6 =	sld [smem:$0x3FB4]  }
0x2c: {  	s7 =	sld [smem:$0x3FB5]  }
0x2d: {  	s3 =	simm.s32 $0x108;
	s8 =	sld [smem:$0x3FB6]  }
0x2e: {  	s3 =	simm.s32 @!p0 $0x1082;
	s9 =	sld [smem:$0x3FB7]  }
0x2f: {  	lr =	sadd.s32 s0, s3;
	s0 =	sld [smem:$0x3FAE]  }
0x30: {  	s3 =	sld [smem:$0x3FB1]  }
0x31: {  	[smem:$0x3FBA] =	sst s10  }
0x32: {  	s10 =	sld [smem:$0x3FB8];
	_ =	sdelay $0x3  }
0x33: {  	p0 =	seq.s32 s10, $0x1;
	s10 =	sld [smem:$0x3FBA];
	_ =	sdelay $0x3  }
0x34: {  	[smem:$0x3FBA] =	sst s10  }
0x35: {  	s10 =	sld [smem:$0x3FB9];
	_ =	sdelay $0x3  }
0x36: {  	p1 =	seq.s32 s10, $0x1;
	s10 =	sld [smem:$0x3FBA];
	_ =	sdelay $0x3  }
0x37: {  	[smem:$0x3FBA] =	sst s10  }
0x38: {  	s10 =	sld [smem:$0x3FBB]  }
0x39: {  	_ = 	snop;
	(pc) =	sbr.ind lr, $3  }
0x3a: {  	_ = 	snop  }
0x3b: {  	_ = 	snop  }
0x3c: {  	p2 =	seq.s32 s10, $0x1;
	s10 =	sld [smem:$0x3FBA]  }
0x3d: {  	_ =	shalt  }
0x3e: {  	_ =	shalt  }
0x3f: {  	_ =	shalt  }
0x40: {  	_ =	shalt  }
0x41: {  	_ =	shalt  }
0x42: {  	_ =	shalt  }
0x43: {  	_ =	shalt  }
0x44: {  	_ =	shalt  }
0x45: {  	_ =	shalt  }
0x46: {  	_ =	shalt  }
0x47: {  	_ =	shalt  }
0x48: {  	_ =	shalt  }
0x49: {  	_ =	shalt  }
0x4a: {  	_ =	shalt  }
0x4b: {  	_ =	shalt  }
0x4c: {  	_ =	shalt  }
0x4d: {  	_ =	shalt  }
0x4e: {  	_ =	shalt  }
0x4f: {  	_ =	shalt  }
0x50: {  	_ =	shalt  }
0x51: {  	_ =	shalt  }
0x52: {  	_ =	shalt  }
0x53: {  	_ =	shalt  }
0x54: {  	_ =	shalt  }
0x55: {  	_ =	shalt  }
0x56: {  	_ =	shalt  }
0x57: {  	_ =	shalt  }
0x58: {  	_ =	shalt  }
0x59: {  	_ =	shalt  }
0x5a: {  	_ =	shalt  }
0x5b: {  	_ =	shalt  }
0x5c: {  	_ =	shalt  }
0x5d: {  	_ =	shalt  }
0x5e: {  	_ =	shalt  }
0x5f: {  	_ =	shalt  }
0x60: {  	_ =	shalt  }
0x61: {  	_ =	shalt  }
0x62: {  	_ =	shalt  }
0x63: {  	_ =	shalt  }
0x64: {  	_ =	shalt  }
0x65: {  	_ =	shalt  }
0x66: {  	_ =	shalt  }
0x67: {  	_ =	shalt  }
0x68: {  	_ =	shalt  }
0x69: {  	_ =	shalt  }
0x6a: {  	_ =	shalt  }
0x6b: {  	_ =	shalt  }
0x6c: {  	_ =	shalt  }
0x6d: {  	_ =	shalt  }
0x6e: {  	_ =	shalt  }
0x6f: {  	_ =	shalt  }
0x70: {  	_ =	shalt  }
0x71: {  	_ =	shalt  }
0x72: {  	_ =	shalt  }
0x73: {  	_ =	shalt  }
0x74: {  	_ =	shalt  }
0x75: {  	_ =	shalt  }
0x76: {  	_ =	shalt  }
0x77: {  	_ =	shalt  }
0x78: {  	_ =	shalt  }
0x79: {  	_ =	shalt  }
0x7a: {  	_ =	shalt  }
0x7b: {  	_ =	shalt  }
0x7c: {  	_ =	shalt  }
0x7d: {  	_ =	shalt  }
0x7e: {  	_ =	shalt  }
0x7f: {  	_ =	shalt  }
0x80: {  	_ =	shalt  }
0x81: {  	_ =	shalt  }
0x82: {  	_ =	shalt  }
0x83: {  	_ =	shalt  }
0x84: {  	_ =	shalt  }
0x85: {  	_ =	shalt  }
0x86: {  	_ =	shalt  }
0x87: {  	_ =	shalt  }
.Lfunc_end0:
.L_simem_size_0:
called_computation_lowered:
.L_overlay_start_0:
0x88: {  	s2 =	sld [smem:$0x3FD9]  }
0x89: {  	s3 =	sld [smem:$0x3FFE];
	_ =	sdelay $0x1  }
0x8a: {  	s1 =	srdreg.scid  }
0x8b: {  	s0 =	sand.u32 $0x1, s1  }
0x8c: {  	s18 =	sshll.u32 s0, $0xA;
	s2 =	sadd.s32 s3, s2  }
0x8d: {  	s2 =	sadd.s32 s2, s18  }
0x8e: {  	[smem:$0x3FC6] =	sst s2  }
0x8f: {  	_ = 	snop  }
0x90: {  	s2 =	sld [smem:$0x3FC9]  }
0x91: {  	s19 =	sld [smem:$0x3FC8]  }
0x92: {  	s4 =	sld [smem:$0x3FD0];
	(tm) =	ssettm $0x1  }
0x93: {  	s5 =	sld [smem:$0x3FFB];
	_ =	sdelay $0x3  }
0x94: {  	_ =	strace s5  }
0x95: {  	s5 =	sld [smem:$0x3FFC];
	_ =	sdelay $0x3  }
0x96: {  	_ =	strace s5  }
0x97: {  	s5 =	sld [smem:$0x3FFD];
	_ =	sdelay $0x3  }
0x98: {  	_ =	strace s5  }
0x99: {  	_ =	strace $0x8FFFFFFF  }
0x9a: {  	s20 =	sld [smem:$0x3FDB];
	_ =	sdelay $0x1  }
0x9b: {  	s6 =	simm.s32 $_scs_section_size  }
0x9c: {  	s7 =	simm.s32 $_size__tile_overlayer_lowered;
	s8 =	simm.s32 $_tile_overlayer_lowered  }
0x9d: {  	s23 =	simm.s32 $0x1BFF;
	s22 =	sshll.u32 s8, $0x1;
	s5 =	sadd.s32 s6, s20  }
0x9e: {  	s9 =	simm.s32 $0x0;
	s21 =	sshll.u32 s7, $0x1;
	s7 =	sadd.s32 s22, s5  }
0x9f: {  	[timem:s9], [sflag:s23] =	dma.local [hbm:s7], s21  }
0xa0: {  	_ =	swait.ge [sflag:s23], s21  }
0xa1: {  	s6 =	ssub.s32 $0x0, s21;
	[sflag:s23] =	ssyncset.done $0x0  }
0xa2: {  	[sflag:s23] =	ssyncadd.s32 s6;
	_ =	sdelay $0x1  }
0xa3: {  	s24 =	simm.s32 $0x1B8B  }
0xa4: {  	_ =	swait.ge [sflag:s24], $0x1  }
0xa5: {  	[sflag:s24] =	ssyncset.done $0x0  }
0xa6: {  	s25 =	simm.s32 $0x1B8E;
	[sflag:s24] =	ssyncadd.s32 $0xFFFFFFFF  }
0xa7: {  	s26 =	simm.s32 $execute0_lowered;
	[smem:$0x3FD2] =	sst s25  }
0xa8: {  	s6 =	sshll.u32 s26, $0x1;
	_ =	strace $0x80000046;
	[dreg:$0x1] =	wrdreg $0xFFFFFFFF  }
0xa9: {  	s28 =	simm.s32 $_size_execute0_lowered;
	s5 =	sadd.s32 s5, s6;
	[dreg:$0x0] =	wrdreg $0x0  }
0xaa: {  	s6 =	sshll.u32 s28, $0x1;
	[dreg:$0x2] =	wrdreg s5  }
0xab: {  	[dreg:$0x3] =	wrdreg s6  }
0xac: {  	[dreg:$0x4] =	wrdreg $0xC0  }
0xad: {  	_ =	task [dreg:s9], $0x5FFFF  }
0xae: {  	[dreg:$0x1] =	wrdreg $0xFFFFFFFF  }
0xaf: {  	[dreg:$0x0] =	wrdreg $0x60  }
0xb0: {  	[dreg:$0x2] =	wrdreg s19  }
0xb1: {  	[dreg:$0x3] =	wrdreg s2  }
0xb2: {  	[dreg:$0x4] =	wrdreg s4  }
0xb3: {  	[dreg:$0x5] =	wrdreg $0x9  }
0xb4: {  	_ =	task.clear_ibuf [dreg:s9], $0x6FFFF;
	_ =	strace $0x90000046  }
0xb5: {  	s29 =	simm.s32 $0x9;
	_ =	strace $0x80000048  }
0xb6: {  	_ =	swait.ge [sflag:s29], $0x1  }
0xb7: {  	[sflag:s29] =	ssyncadd.s32 $0xFFFFFFFF  }
0xb8: {  	_ =	strace $0x90000048  }
0xb9: {  	_ =	sfence  }
0xba: {  	s30 =	sld [smem:$0x0];
	_ =	sdelay $0x2  }
0xbb: {  	s31 =	sshll.u32 s1, $0xD;
	s1 =	sshrl.u32 s1, $0x2  }
0xbc: {  	s3 =	sand.u32 $0x4000, s31;
	s1 =	sadd.s32 s1, s30  }
0xbd: {  	s0 =	sor.u32 s3, s0;
	s1 =	sshll.u32 s1, $0x11  }
0xbe: {  	s0 =	sor.u32 s1, s0  }
0xbf: {  	s0 =	sadd.s32 $0x8F2B, s0  }
0xc0: {  	[sflag:s0] =	ssyncadd.remote.s32 $0x1  }
0xc1: {  	_ =	sfence.sel $0xFFFF  }
0xc2: {  	[dreg:$0x0] =	wrdreg $0xFFFFFFFF;
	(pc) =	sbr.abs _section_cstart, $3  }
0xc3: {  	[dreg:$0x1] =	wrdreg $0xFFFFFFFF  }
0xc4: {  	_ =	task.clear_ibuf [dreg:s9], $0x2FFFF;
	_ =	strace $0x9FFFFFFF  }
0xc5: {  	(tm) =	ssettm $0x7FFFFFFF  }
tec
execute0_lowered:
.L_overlay_start_1:
0x0: {  	(tag) =	ssettag $0x1  }
0x1: {  	s1 =	rddreg [dreg:$0x0]  }
0x2: {  	s2 =	rddreg [dreg:$0x1]  }
0x3: {  	s3 =	rddreg [dreg:$0x2]  }
0x4: {  	s4 =	srdreg.scid;
	s0 =	rddreg [dreg:$0x3];
	s5 =	simm.s32 $0x0  }
0x5: {  	s10 =	simm.s32 $0x18700;
	s11 =	simm.s32 $0x2;
	s12 =	simm.s32 $0x1  }
0x6: {  	s13 =	simm.s32 $0x1C700;
	s14 =	simm.s32 $0x1CF00;
	s15 =	simm.s32 $0x3  }
0x7: {  	s16 =	simm.s32 $0x4;
	s17 =	simm.s32 $0x0;
	s6 =	sand.u32 $0x1, s4  }
0x8: {  	s4 =	stileid.u32;
	[smem:$0x7FF] =	sst s5;
	s7 =	ssub.s32 $0x2, s6  }
0x9: {  	s9 =	sshll.u32 s4, $0x1;
	_ =	strace $0x80000047;
	s8 =	sshrl.u32 s7, $0x1  }
0xa: {  	s6 =	sor.u32 s6, s9;
	s9 =	simm.s32 $0x400;
	s7 =	ssub.s32 s7, s8  }
0xb: {  	s6 =	smul.u32 $0x1A, s6;
	s8 =	simm.s32 $0x80;
	s7 =	smax.u32 s7, $0x1  }
.LBB2_1:
0xc: {  	s18 =	simm.s32 $0x0  }
.LBB2_2:
0xd: {  	s19 =	sadd.s32 s6, s18  }
0xe: {  	s21 =	sshrl.u32 s19, $0x5;
	s22 =	sand.u32 $0x1F, s19  }
0xf: {  	s20 =	smul.u32 $0x30E000, s21;
	s23 =	sshrl.u32 s22, $0x3  }
0x10: {  	p0 =	seq.s32 s18, $0x0;
	s23 =	smul.u32 $0xC3800, s23  }
0x11: {  	s24 =	sshll.u32 s19, $0x7;
	p1 =	sne.s32 @!p0 s22, $0x0  }
0x12: {  	s30 =	sand.u32 $0x380, s24;
	p0 =	por p0, !p1;
	s23 =	sadd.s32 s20, s23  }
0x13: {  	s22 =	sshll.u32 @p0 s21, $0x4;
	s23 =	sor.u32 s30, s23  }
0x14: {  	s21 =	sshll.u32 @p0 s21, $0xB;
	s22 =	sand.u32 @p0 $0x70, s22;
	s23 =	sshrl.u32 s23, $0x3  }
0x15: {  	s21 =	sand.u32 @p0 $0xFFFC000, s21;
	s22 =	sadd.s32 @p0 s2, s22;
	s23 =	sadd.s32 s1, s23  }
0x16: {  	[tilespmem:s5], [sflag:$0x1] =	stream.strided.gather [hbm4b:s23+s8], $0x18700, s9, s8, $0x38;
	[tilespmem:$0x1D700] =	vst v63  }
0x17: {  	s21 =	sadd.s32 @p0 s21, s22  }
0x18: {  	[tilespmem:s10], [sflag:$0x2] =	stream.strided.gather @p0 [hbm4b:s21+s8], $0x4000, s9, s8, $0x38;
	[tilespmem:$0x1D700] =	vst v63  }
0x19: {  	_ =	swait.ge @p0 [sflag:s11], $0x4000  }
0x1a: {  	[sflag:s11] =	ssyncset.done @p0 $0x0  }
0x1b: {  	s19 =	sshll.u32 s19, $0xE;
	[sflag:s11] =	ssyncadd.s32 @p0 $0xFFFFC000  }
0x1c: {  	s31 =	sand.u32 $0x7FFE0000, s19;
	s19 =	sshll.u32 s18, $0x3;
	_ =	swait.ge [sflag:s12], $0x18700  }
0x1d: {  	s20 =	sor.u32 s30, s31;
	s22 =	simm.s32 $0x18740;
	[sflag:s12] =	ssyncset.done $0x0  }
0x1e: {  	s23 =	simm.s32 $0x18F70;
	s21 =	simm.s32 $0x0;
	[sflag:s12] =	ssyncadd.s32 $0xFFFE7900  }
.LBB2_3:
0x1f: {  	s24 =	sor.u32 s18, s21  }
0x20: {  	p0 =	seq.s32 s24, $0x0  }
0x21: {  	s24 =	simm.s32 @!p0 $0x3  }
0x22: {  	_ =	swait.ge @!p0 [sflag:s24], $0x800  }
0x23: {  	[sflag:s24] =	ssyncset.done @!p0 $0x0  }
0x24: {  	[sflag:s24] =	ssyncadd.s32 @!p0 $0xFFFFF800  }
0x25: {  	v0 =	vld [tilespmem:s22+$0x30]  }
0x26: {  	v1 =	vld [tilespmem:s22+$0xFFFFFFD0]  }
0x27: {  	v2 =	vld [tilespmem:s22+$0xFFFFFFE0]  }
0x28: {  	v3 =	vld [tilespmem:s22+$0xFFFFFFF0]  }
0x29: {  	v6 =	vld [tilespmem:s22+$0x0]  }
0x2a: {  	v7 =	vld [tilespmem:s22+$0x10]  }
0x2b: {  	v8 =	vld [tilespmem:s22+$0x20]  }
0x2c: {  	v9 =	vld [tilespmem:s22+$0xFFFFFFC0]  }
0x2d: {  	v10 =	vld.idx.msk [tilespmem:v0+s5+$0x0], $0xffff  }
0x2e: {  	v11 =	vld.idx.msk [tilespmem:v1+s5+$0x0], $0xffff  }
0x2f: {  	v5 =	vld.idx.msk [tilespmem:v2+s5+$0x0], $0xffff  }
0x30: {  	v4 =	vld.idx.msk [tilespmem:v3+s5+$0x0], $0xffff  }
0x31: {  	v2 =	vld.idx.msk [tilespmem:v6+s5+$0x0], $0xffff  }
0x32: {  	s24 =	simm.s32 $0x1C740;
	v1 =	vld.idx.msk [tilespmem:v7+s5+$0x0], $0xffff  }
0x33: {  	v0 =	vld.idx.msk [tilespmem:v8+s5+$0x0], $0xffff;
	[tilespmem:s24+$0x30] =	vst v10  }
0x34: {  	s25 =	sshll.u32 s21, $0x1;
	s26 =	simm.s32 $0x0;
	s28 =	sadd.s32 $0x80, s22;
	v3 =	vld.idx.msk [tilespmem:v9+s5+$0x0], $0xffff;
	[tilespmem:s24+$0xFFFFFFD0] =	vst v11  }
.LBB2_4:
0x35: {  	v6 =	vld [tilespmem:s28+$0x30];
	s26 =	sadd.s32 $0x8, s26;
	[tilespmem:s24+$0xFFFFFFE0] =	vst v5  }
0x36: {  	v5 =	vld [tilespmem:s28+$0xFFFFFFD0];
	p0 =	slt.u32 s26, $0x78;
	[tilespmem:s24+$0xFFFFFFF0] =	vst v4  }
0x37: {  	v4 =	vld [tilespmem:s28+$0xFFFFFFE0];
	[tilespmem:s24+$0x0] =	vst v2  }
0x38: {  	v2 =	vld [tilespmem:s28+$0xFFFFFFF0];
	[tilespmem:s24+$0x10] =	vst v1  }
0x39: {  	v1 =	vld [tilespmem:s28+$0x0];
	[tilespmem:s24+$0x20] =	vst v0  }
0x3a: {  	v0 =	vld [tilespmem:s28+$0x10];
	[tilespmem:s24+$0xFFFFFFC0] =	vst v3  }
0x3b: {  	v3 =	vld [tilespmem:s28+$0x20]  }
0x3c: {  	v7 =	vld [tilespmem:s28+$0xFFFFFFC0]  }
0x3d: {  	v6 =	vld.idx.msk [tilespmem:v6+s5+$0x0], $0xffff  }
0x3e: {  	v8 =	vld.idx.msk [tilespmem:v5+s5+$0x0], $0xffff  }
0x3f: {  	v5 =	vld.idx.msk [tilespmem:v4+s5+$0x0], $0xffff  }
.Ltmp0:
0x40: {  	v4 =	vld.idx.msk [tilespmem:v2+s5+$0x0], $0xffff;
	(pc) =	sbr.rel @p0 .LBB2_4-.Ltmp0, $4  }
0x41: {  	v2 =	vld.idx.msk [tilespmem:v1+s5+$0x0], $0xffff  }
0x42: {  	s24 =	sadd.s32 $0x80, s24;
	v1 =	vld.idx.msk [tilespmem:v0+s5+$0x0], $0xffff  }
0x43: {  	v0 =	vld.idx.msk [tilespmem:v3+s5+$0x0], $0xffff;
	[tilespmem:s24+$0x30] =	vst v6  }
0x44: {  	s28 =	sadd.s32 $0x80, s28;
	v3 =	vld.idx.msk [tilespmem:v7+s5+$0x0], $0xffff;
	[tilespmem:s24+$0xFFFFFFD0] =	vst v8  }
0x45: {  	[tilespmem:s24+$0xFFFFFFE0] =	vst v5  }
0x46: {  	[tilespmem:s24+$0xFFFFFFF0] =	vst v4  }
0x47: {  	s26 =	sshll.u32 s21, $0xF;
	[tilespmem:s24+$0x0] =	vst v2  }
0x48: {  	s26 =	sadd.s32 s20, s26;
	[tilespmem:s24+$0x10] =	vst v1  }
0x49: {  	s26 =	sshrl.u32 s26, $0x3;
	[tilespmem:s24+$0x20] =	vst v0  }
0x4a: {  	s31 =	sadd.s32 s3, s26;
	[tilespmem:s24+$0xFFFFFFC0] =	vst v3;
	s24 =	sor.u32 $0x1, s25  }
0x4b: {  	[hbm4b:s31+s8] =	stream.strided.scatter [tilespmem:s13], [sflag:$0x3], $0x800, s9, s8, $0x38;
	[tilespmem:$0x1D700] =	vst v63  }
0x4c: {  	s25 =	sadd.s32 s19, s24  }
0x4d: {  	p0 =	seq.s32 s25, $0x1  }
0x4e: {  	s25 =	simm.s32 @!p0 $0x4  }
0x4f: {  	_ =	swait.ge @!p0 [sflag:s25], $0x800  }
0x50: {  	[sflag:s25] =	ssyncset.done @!p0 $0x0  }
0x51: {  	[sflag:s25] =	ssyncadd.s32 @!p0 $0xFFFFF800  }
0x52: {  	v0 =	vld [tilespmem:s23+$0x0]  }
0x53: {  	v1 =	vld [tilespmem:s23+$0xFFFFFFA0]  }
0x54: {  	v2 =	vld [tilespmem:s23+$0xFFFFFFB0]  }
0x55: {  	v3 =	vld [tilespmem:s23+$0xFFFFFFC0]  }
0x56: {  	v6 =	vld [tilespmem:s23+$0xFFFFFFD0]  }
0x57: {  	v7 =	vld [tilespmem:s23+$0xFFFFFFE0]  }
0x58: {  	v8 =	vld [tilespmem:s23+$0xFFFFFFF0]  }
0x59: {  	v9 =	vld [tilespmem:s23+$0xFFFFFF90]  }
0x5a: {  	v10 =	vld.idx.msk [tilespmem:v0+s5+$0x0], $0xffff  }
0x5b: {  	v11 =	vld.idx.msk [tilespmem:v1+s5+$0x0], $0xffff  }
0x5c: {  	v5 =	vld.idx.msk [tilespmem:v2+s5+$0x0], $0xffff  }
0x5d: {  	v4 =	vld.idx.msk [tilespmem:v3+s5+$0x0], $0xffff  }
0x5e: {  	v3 =	vld.idx.msk [tilespmem:v6+s5+$0x0], $0xffff  }
0x5f: {  	s25 =	simm.s32 $0x1CF40;
	v1 =	vld.idx.msk [tilespmem:v7+s5+$0x0], $0xffff  }
0x60: {  	v0 =	vld.idx.msk [tilespmem:v8+s5+$0x0], $0xffff;
	[tilespmem:s25+$0x30] =	vst v10  }
0x61: {  	s28 =	sadd.s32 $0x80, s23;
	s26 =	simm.s32 $0x0;
	v2 =	vld.idx.msk [tilespmem:v9+s5+$0x0], $0xffff;
	[tilespmem:s25+$0xFFFFFFD0] =	vst v11  }
.LBB2_6:
0x62: {  	v6 =	vld [tilespmem:s28+$0x0];
	s26 =	sadd.s32 $0x8, s26;
	[tilespmem:s25+$0xFFFFFFE0] =	vst v5  }
0x63: {  	v5 =	vld [tilespmem:s28+$0xFFFFFFA0];
	p0 =	slt.u32 s26, $0x78;
	[tilespmem:s25+$0xFFFFFFF0] =	vst v4  }
0x64: {  	v4 =	vld [tilespmem:s28+$0xFFFFFFB0];
	[tilespmem:s25+$0x0] =	vst v3  }
0x65: {  	v3 =	vld [tilespmem:s28+$0xFFFFFFC0];
	[tilespmem:s25+$0x10] =	vst v1  }
0x66: {  	v1 =	vld [tilespmem:s28+$0xFFFFFFD0];
	[tilespmem:s25+$0x20] =	vst v0  }
0x67: {  	v0 =	vld [tilespmem:s28+$0xFFFFFFE0];
	[tilespmem:s25+$0xFFFFFFC0] =	vst v2  }
0x68: {  	v2 =	vld [tilespmem:s28+$0xFFFFFFF0]  }
0x69: {  	v7 =	vld [tilespmem:s28+$0xFFFFFF90]  }
0x6a: {  	v6 =	vld.idx.msk [tilespmem:v6+s5+$0x0], $0xffff  }
0x6b: {  	v8 =	vld.idx.msk [tilespmem:v5+s5+$0x0], $0xffff  }
0x6c: {  	v5 =	vld.idx.msk [tilespmem:v4+s5+$0x0], $0xffff  }
.Ltmp1:
0x6d: {  	v4 =	vld.idx.msk [tilespmem:v3+s5+$0x0], $0xffff;
	(pc) =	sbr.rel @p0 .LBB2_6-.Ltmp1, $4  }
0x6e: {  	v3 =	vld.idx.msk [tilespmem:v1+s5+$0x0], $0xffff  }
0x6f: {  	s25 =	sadd.s32 $0x80, s25;
	v1 =	vld.idx.msk [tilespmem:v0+s5+$0x0], $0xffff  }
0x70: {  	v0 =	vld.idx.msk [tilespmem:v2+s5+$0x0], $0xffff;
	[tilespmem:s25+$0x30] =	vst v6  }
0x71: {  	s28 =	sadd.s32 $0x80, s28;
	v2 =	vld.idx.msk [tilespmem:v7+s5+$0x0], $0xffff;
	[tilespmem:s25+$0xFFFFFFD0] =	vst v8  }
0x72: {  	[tilespmem:s25+$0xFFFFFFE0] =	vst v5;
	s21 =	sadd.s32 $0x1, s21  }
0x73: {  	[tilespmem:s25+$0xFFFFFFF0] =	vst v4;
	p0 =	sne.s32 s21, $0x4  }
.Ltmp2:
0x74: {  	s24 =	sshll.u32 s24, $0xE;
	[tilespmem:s25+$0x0] =	vst v3;
	(pc) =	sbr.rel @p0 .LBB2_3-.Ltmp2, $4  }
0x75: {  	s24 =	sadd.s32 s20, s24;
	[tilespmem:s25+$0x10] =	vst v1  }
0x76: {  	s24 =	sshrl.u32 s24, $0x3;
	[tilespmem:s25+$0x20] =	vst v0  }
0x77: {  	s22 =	sadd.s32 $0x1000, s22;
	s23 =	sadd.s32 $0x1000, s23;
	s24 =	sadd.s32 s3, s24;
	[tilespmem:s25+$0xFFFFFFC0] =	vst v2  }
0x78: {  	[hbm4b:s24+s8] =	stream.strided.scatter [tilespmem:s14], [sflag:$0x4], $0x800, s9, s8, $0x38;
	[tilespmem:$0x1D700] =	vst v63  }
0x79: {  	s18 =	sadd.s32 $0x1, s18  }
0x7a: {  	p0 =	sne.s32 s18, $0x1A  }
.Ltmp3:
0x7b: {  	_ = 	snop;
	(pc) =	sbr.rel @p0 .LBB2_2-.Ltmp3, $1  }
0x7c: {  	_ =	sdelay $0x3  }
0x7d: {  	s17 =	sadd.s32 $0x1, s17  }
0x7e: {  	_ =	swait.ge [sflag:s15], $0x800;
	p0 =	sne.s32 s17, s7  }
.Ltmp4:
0x7f: {  	[sflag:s15] =	ssyncset.done $0x0;
	(pc) =	sbr.rel @p0 .LBB2_1-.Ltmp4, $4  }
0x80: {  	[sflag:s15] =	ssyncadd.s32 $0xFFFFF800  }
0x81: {  	_ =	swait.ge [sflag:s16], $0x800  }
0x82: {  	[sflag:s16] =	ssyncset.done $0x0  }
0x83: {  	[sflag:s16] =	ssyncadd.s32 $0xFFFFF800  }
0x84: {  	_ =	sfence.sel $0x180000  }
0x85: {  	[bflag:$0x0] =	sbarrier.arrive $0xFFFF  }
0x86: {  	p0 =	sne.s32 s4, $0x0;
	_ =	strace $0x90000047  }
0x87: {  	s0 =	sadd.s32 @!p0 $0x100000, s0;
	[bflag:$0x2] =	sbarrier.arrive $0xFFFF  }
0x88: {  	[sflag:s0] =	ssyncadd.tile.s32 @!p0 $0x1;
	_ =	shalt  }
.Lfunc_end2:
_tile_overlayer_lowered:
.L_overlay_start_2:
0x89: {  	(tag) =	ssettag $0x2  }
0x8a: {  	s0 =	rddreg [dreg:$0x0];
	s2 =	stileid.u32  }
0x8b: {  	s1 =	rddreg [dreg:$0x1];
	p0 =	sne.s32 s2, $0x0  }
0x8c: {  	s3 =	rddreg [dreg:$0x2];
	[bflag:$0x3] =	sbarrier.arrive $0xFFFF;
	s2 =	simm.s32 @!p0 $0x1C05  }
0x8d: {  	[timem:s3], [sflag:s2] =	dma.local @!p0 [hbm:s0], s1  }
0x8e: {  	s0 =	simm.s32 @!p0 $0x5  }
0x8f: {  	_ =	swait.ge @!p0 [sflag:s0], s1  }
0x90: {  	s1 =	ssub.s32 @!p0 $0x0, s1;
	[sflag:s0] =	ssyncset.done @!p0 $0x0  }
0x91: {  	[sflag:s0] =	ssyncadd.s32 @!p0 s1  }
0x92: {  	[bflag:$0x3] =	sbarrier.arrive $0xFFFF  }
0x93: {  	_ =	shalt  }

</sc_bundles>
